<compile_context>
chip_gen: v7x
topology: tpu7x:2x2x1
jax: 0.10.2.dev20260603
libtpu: 0.0.44.dev20260713+nightly
codegen_flags: <defaults>
</compile_context>

<pallas_src>
import functools

import jax
import jax.numpy as jnp
from jax import lax
from jax.experimental import pallas as pl
from jax.experimental.pallas import tpu as pltpu
from jax.experimental.pallas import tpu_sc as plsc

D = 128
XP = 16
CH = 128
BM = 128
NCHUNKS = 8


NBUF = 3


@functools.partial(jax.jit, static_argnums=(3,))
def _sc_gather2(feat, xyzp, idx3, mk):
    info = plsc.get_sparse_core_info()
    nc, ns = info.num_cores, info.num_subcores
    nw = nc * ns
    per_w = mk // nw
    n_ch = per_w // CH
    mesh = plsc.VectorSubcoreMesh(core_axis_name="c", subcore_axis_name="s")

    @functools.partial(
        pl.kernel,
        mesh=mesh,
        compiler_params=pltpu.CompilerParams(use_tc_tiling_on_sc=True),
        out_type=(jax.ShapeDtypeStruct((mk, D), jnp.float32),
                  jax.ShapeDtypeStruct((mk, D), jnp.float32)),
        scratch_types=(
            [pltpu.VMEM((n_ch, CH), jnp.int32)]
            + [pltpu.VMEM((CH, D), jnp.float32)] * (2 * NBUF)
            + [pltpu.SemaphoreType.DMA] * (2 * NBUF)
        ),
    )
    def gather_k(feat_hbm, xyz_hbm, idx_hbm, outf_hbm, outx_hbm, idx_v, *rest):
        fbufs = rest[:NBUF]
        xbufs = rest[NBUF:2 * NBUF]
        fsems = rest[2 * NBUF:3 * NBUF]
        xsems = rest[3 * NBUF:]
        wid = lax.axis_index("s") * nc + lax.axis_index("c")
        base = wid * per_w
        pltpu.sync_copy(idx_hbm.at[wid], idx_v)
        pend = {}

        def start(c):
            p = c % NBUF
            pend[c] = (
                pltpu.async_copy(feat_hbm.at[idx_v.at[c]], fbufs[p], fsems[p]),
                pltpu.async_copy(xyz_hbm.at[idx_v.at[c]], xbufs[p], xsems[p]),
            )

        for c in range(min(NBUF, n_ch)):
            start(c)
        for c in range(n_ch):
            p = c % NBUF
            hf, hx = pend.pop(c)
            hf.wait()
            hx.wait()
            row = pl.ds(base + c * CH, CH)
            pltpu.sync_copy(fbufs[p], outf_hbm.at[row])
            pltpu.sync_copy(xbufs[p], outx_hbm.at[row])
            if c + NBUF < n_ch:
                start(c + NBUF)

    return gather_k(feat, xyzp, idx3)


def _tc_body(gf_ref, gx_ref, sup_ref, init_ref,
             w1f_ref, w1g_ref, b1_ref, w2_ref, b2_ref, lnw_ref, lnb_ref,
             out_ref, *, bm, k):
    ef = gf_ref[...]
    gx = gx_ref[...].reshape(bm, k, D)
    sup = sup_ref[...]
    rel = gx - sup[:, None, :]
    d2 = jnp.sum(rel * rel, axis=-1, keepdims=True)
    dist = jnp.sqrt(d2)
    onehot3 = (lax.broadcasted_iota(jnp.int32, (1, 1, D), 2) == 3
               ).astype(jnp.float32)
    g = rel + dist * onehot3
    g2 = g.reshape(bm * k, D)

    h = jnp.dot(ef, w1f_ref[...], preferred_element_type=jnp.float32)
    h = h + jnp.dot(g2, w1g_ref[...], preferred_element_type=jnp.float32)
    h = h + b1_ref[...]
    h = h * jax.nn.sigmoid(h)
    msg = jnp.dot(h, w2_ref[...], preferred_element_type=jnp.float32)
    msg = msg + b2_ref[...]

    s = jnp.sum(msg.reshape(bm, k, D), axis=1)
    x = init_ref[...] + s * (1.0 / k)

    mu = jnp.mean(x, axis=-1, keepdims=True)
    var = jnp.mean((x - mu) ** 2, axis=-1, keepdims=True)
    out_ref[...] = ((x - mu) * lax.rsqrt(var + 1e-5)) * lnw_ref[...] + lnb_ref[...]


def _tc_stage(gf, gx, supx, init, w1f, w1g, b1, w2, b2, lnw, lnb,
              bm, k, interpret=False):
    m = init.shape[0]
    grid = (m // bm,)
    full = lambda i: (0, 0)
    return pl.pallas_call(
        functools.partial(_tc_body, bm=bm, k=k),
        grid=grid,
        in_specs=[
            pl.BlockSpec((bm * k, D), lambda i: (i, 0)),
            pl.BlockSpec((bm * k, D), lambda i: (i, 0)),
            pl.BlockSpec((bm, D), lambda i: (i, 0)),
            pl.BlockSpec((bm, D), lambda i: (i, 0)),
            pl.BlockSpec((D, D), full),
            pl.BlockSpec((D, D), full),
            pl.BlockSpec((1, D), full),
            pl.BlockSpec((D, D), full),
            pl.BlockSpec((1, D), full),
            pl.BlockSpec((1, D), full),
            pl.BlockSpec((1, D), full),
        ],
        out_specs=pl.BlockSpec((bm, D), lambda i: (i, 0)),
        out_shape=jax.ShapeDtypeStruct((m, D), jnp.float32),
        interpret=interpret,
    )(gf, gx, supx, init, w1f, w1g, b1, w2, b2, lnw, lnb)


def kernel(point_feat, point_xyz, supernode_xyz, neighbor_idx, neighbor_mask,
           supernode_init_feat, W1, b1, W2, b2, ln_w, ln_b):
    b, n, d = point_feat.shape
    _, m, k = neighbor_idx.shape

    info = plsc.get_sparse_core_info()
    nw = info.num_cores * info.num_subcores

    pf = point_feat[0]
    xyzp = jnp.pad(point_xyz[0], ((0, 0), (0, D - 3)))

    supx = jnp.pad(supernode_xyz[0], ((0, 0), (0, D - 3)))
    w1f = W1[:, :d].T
    w1g = jnp.pad(W1[:, d:d + 4].T, ((0, D - 4), (0, 0)))
    b1r = b1.reshape(1, D)
    b2r = b2.reshape(1, D)
    lnwr = ln_w.reshape(1, D)
    lnbr = ln_b.reshape(1, D)
    w2t = W2.T
    init = supernode_init_feat[0]

    mc = m // NCHUNKS
    mkc = mc * k
    n_ch = mkc // (nw * CH)
    outs = []
    for c in range(NCHUNKS):
        idx3 = lax.dynamic_slice_in_dim(neighbor_idx[0], c * mc, mc, 0)
        idx3 = idx3.reshape(nw, n_ch, CH)
        gf, gx = _sc_gather2(pf, xyzp, idx3, mkc)
        supc = lax.dynamic_slice_in_dim(supx, c * mc, mc, 0)
        initc = lax.dynamic_slice_in_dim(init, c * mc, mc, 0)
        outs.append(_tc_stage(gf, gx, supc, initc,
                              w1f, w1g, b1r, w2t, b2r, lnwr, lnbr, BM, k))
    out = jnp.concatenate(outs, axis=0)
    return out[None]

# --- scband reference (transcript-rebuilt; emitter-appended) ---
"""Pipeline reference for scband-point-to-supernode-message-passing-65781719106288 (READ-ONLY COPY).

The authoritative reference and input builder live on the scoring server;
editing this copy changes nothing except your own understanding.
"""

import jax, jax.numpy as jnp
import numpy as np

D = 128
N = 100000
M = 4096
K = 32
B = 1


def gather_neighbors(x, neighbor_idx):
    # x: [B, N, C], neighbor_idx: [B, M, K] -> [B, M, K, C]
    return jax.vmap(lambda xb, ib: jnp.take(xb, ib, axis=0))(x, neighbor_idx)


def layer_norm(x, w, b, eps=1e-5):
    mu = jnp.mean(x, axis=-1, keepdims=True)
    var = jnp.mean((x - mu) ** 2, axis=-1, keepdims=True)
    return (x - mu) / jnp.sqrt(var + eps) * w + b


def setup_inputs(seed: int = 0) -> dict:
    key = jax.random.key(seed)
    ks = jax.random.split(key, 10)
    point_feat = jax.random.normal(ks[0], (B, N, D), dtype=jnp.float32)
    point_xyz = jax.random.uniform(ks[1], (B, N, 3), dtype=jnp.float32)
    supernode_xyz = jax.random.uniform(ks[2], (B, M, 3), dtype=jnp.float32)
    neighbor_idx = jax.random.randint(ks[3], (B, M, K), 0, N, dtype=jnp.int64 if jax.config.jax_enable_x64 else jnp.int32).astype(jnp.int32)
    neighbor_mask = jnp.ones((B, M, K), dtype=jnp.bool_)
    supernode_init_feat = jax.random.normal(ks[4], (B, M, D), dtype=jnp.float32)
    W1 = jax.random.normal(ks[5], (D, D + 4), dtype=jnp.float32) * (1.0 / np.sqrt(D + 4))
    b1 = jnp.zeros((D,), dtype=jnp.float32)
    W2 = jax.random.normal(ks[6], (D, D), dtype=jnp.float32) * (1.0 / np.sqrt(D))
    b2 = jnp.zeros((D,), dtype=jnp.float32)
    ln_w = jnp.ones((D,), dtype=jnp.float32)
    ln_b = jnp.zeros((D,), dtype=jnp.float32)
    return {
        "point_feat": point_feat,
        "point_xyz": point_xyz,
        "supernode_xyz": supernode_xyz,
        "neighbor_idx": neighbor_idx,
        "neighbor_mask": neighbor_mask,
        "supernode_init_feat": supernode_init_feat,
        "W1": W1, "b1": b1, "W2": W2, "b2": b2,
        "ln_w": ln_w, "ln_b": ln_b,
    }


def reference(point_feat, point_xyz, supernode_xyz, neighbor_idx, neighbor_mask,
              supernode_init_feat, W1, b1, W2, b2, ln_w, ln_b):
    neigh_feat = gather_neighbors(point_feat, neighbor_idx)            # [B, M, K, D]
    neigh_xyz = gather_neighbors(point_xyz, neighbor_idx)              # [B, M, K, 3]
    rel = neigh_xyz - supernode_xyz[:, :, None, :]                     # [B, M, K, 3]
    dist = jnp.linalg.norm(rel, axis=-1, keepdims=True)                # [B, M, K, 1]
    edge_feat = jnp.concatenate([neigh_feat,
                                 rel.astype(neigh_feat.dtype),
                                 dist.astype(neigh_feat.dtype)], axis=-1)
    h = jnp.einsum('bmkf,df->bmkd', edge_feat, W1) + b1
    h = jax.nn.silu(h)
    msg = jnp.einsum('bmkf,df->bmkd', h, W2) + b2                      # [B, M, K, D]
    mask_f = neighbor_mask.astype(msg.dtype)[..., None]                # [B, M, K, 1]
    denom = jnp.clip(jnp.sum(mask_f, axis=2), 1.0, None)               # [B, M, 1]
    agg = jnp.sum(msg * mask_f, axis=2) / denom                        # [B, M, D]
    return layer_norm(supernode_init_feat + agg, ln_w, ln_b)

if __name__ == "__main__":
    import jax
    _d = setup_inputs()
    print(jax.jit(kernel)(*tuple(_d.values())))

</pallas_src>

<mosaic_0001>
#map = affine_map<(d0, d1) -> (0, 0)>
#map1 = affine_map<(d0, d1) -> (0, 0, 0)>
module attributes {stable_mosaic.version = 14 : i64} {
  func.func @gather_k(%arg0: i32, %arg1: i32, %arg2: memref<100000x128xf32, #tpu.memory_space<hbm>>, %arg3: memref<100000x128xf32, #tpu.memory_space<hbm>>, %arg4: memref<32x4x128xi32, #tpu.memory_space<hbm>>, %arg5: memref<16384x128xf32, #tpu.memory_space<hbm>>, %arg6: memref<16384x128xf32, #tpu.memory_space<hbm>>, %arg7: memref<4x128xi32, #tpu.memory_space<vmem>>, %arg8: memref<128x128xf32, #tpu.memory_space<vmem>>, %arg9: memref<128x128xf32, #tpu.memory_space<vmem>>, %arg10: memref<128x128xf32, #tpu.memory_space<vmem>>, %arg11: memref<128x128xf32, #tpu.memory_space<vmem>>, %arg12: memref<128x128xf32, #tpu.memory_space<vmem>>, %arg13: memref<128x128xf32, #tpu.memory_space<vmem>>, %arg14: memref<!tpu.dma_semaphore, #tpu.memory_space<semaphore_mem>>, %arg15: memref<!tpu.dma_semaphore, #tpu.memory_space<semaphore_mem>>, %arg16: memref<!tpu.dma_semaphore, #tpu.memory_space<semaphore_mem>>, %arg17: memref<!tpu.dma_semaphore, #tpu.memory_space<semaphore_mem>>, %arg18: memref<!tpu.dma_semaphore, #tpu.memory_space<semaphore_mem>>, %arg19: memref<!tpu.dma_semaphore, #tpu.memory_space<semaphore_mem>>) attributes {dimension_semantics = [#tpu.dimension_semantics<core_parallel>, #tpu.dimension_semantics<subcore_parallel>], iteration_bounds = array<i64: 2, 16>, scalar_prefetch = 0 : i64, scratch_operands = 13 : i64, tpu.core_type = #tpu.core_type<sc_vector_subcore>, window_params = [{transform_indices = #map}, {transform_indices = #map}, {transform_indices = #map1}, {transform_indices = #map}, {transform_indices = #map}]} {
    %mul3A = arith.constant 2 : i32
    %mul3A_0 = arith.muli %arg1, %mul3A : i32
    %add3A = arith.addi %mul3A_0, %arg0 : i32
    %mul3A_1 = arith.constant 512 : i32
    %mul3A_2 = arith.muli %add3A, %mul3A_1 : i32
    "tpu.region"() ({
      %run_scoped3A = tpu.sem_alloc : memref<!tpu.dma_semaphore, #tpu.memory_space<semaphore_mem>>
      %dma_start3A_121 = arith.constant 0 : i32
      %dma_start3A_122 = arith.constant 0 : i32
      %dma_start3A_123 = tpu.memref_slice %arg4[%add3A, %dma_start3A_121, %dma_start3A_122] : memref<32x4x128xi32, #tpu.memory_space<hbm>> -> memref<1x4x128xi32, #tpu.memory_space<hbm>>
      %dma_start3A_124 = tpu.memref_squeeze %dma_start3A_123 : memref<1x4x128xi32, #tpu.memory_space<hbm>> -> memref<4x128xi32, #tpu.memory_space<hbm>>
      %dma_start3A_125 = arith.constant 0 : i32
      %dma_start3A_126 = arith.constant 0 : i32
      %dma_start3A_127 = tpu.memref_slice %arg4[%add3A, %dma_start3A_125, %dma_start3A_126] : memref<32x4x128xi32, #tpu.memory_space<hbm>> -> memref<1x4x128xi32, #tpu.memory_space<hbm>>
      %dma_start3A_128 = tpu.memref_squeeze %dma_start3A_127 : memref<1x4x128xi32, #tpu.memory_space<hbm>> -> memref<4x128xi32, #tpu.memory_space<hbm>>
      tpu.enqueue_dma source(%dma_start3A_128 : memref<4x128xi32, #tpu.memory_space<hbm>>) target(%arg7 : memref<4x128xi32, #tpu.memory_space<vmem>>) target_semaphore(%run_scoped3A : memref<!tpu.dma_semaphore, #tpu.memory_space<semaphore_mem>>)
      %dma_wait3A_129 = arith.constant 0 : i32
      %dma_wait3A_130 = arith.constant 0 : i32
      %dma_wait3A_131 = tpu.memref_slice %arg4[%add3A, %dma_wait3A_129, %dma_wait3A_130] : memref<32x4x128xi32, #tpu.memory_space<hbm>> -> memref<1x4x128xi32, #tpu.memory_space<hbm>>
      %dma_wait3A_132 = tpu.memref_squeeze %dma_wait3A_131 : memref<1x4x128xi32, #tpu.memory_space<hbm>> -> memref<4x128xi32, #tpu.memory_space<hbm>>
      %dma_wait3A_133 = arith.constant 0 : i32
      %dma_wait3A_134 = arith.constant 0 : i32
      %dma_wait3A_135 = tpu.memref_slice %arg4[%add3A, %dma_wait3A_133, %dma_wait3A_134] : memref<32x4x128xi32, #tpu.memory_space<hbm>> -> memref<1x4x128xi32, #tpu.memory_space<hbm>>
      %dma_wait3A_136 = tpu.memref_squeeze %dma_wait3A_135 : memref<1x4x128xi32, #tpu.memory_space<hbm>> -> memref<4x128xi32, #tpu.memory_space<hbm>>
      tpu.wait_dma2 semaphore(%run_scoped3A : memref<!tpu.dma_semaphore, #tpu.memory_space<semaphore_mem>>) src(%dma_wait3A_136 : memref<4x128xi32, #tpu.memory_space<hbm>>) dst(%arg7 : memref<4x128xi32, #tpu.memory_space<vmem>>)
      tpu.yield
    }) : () -> ()
    %dma_start3A = arith.constant 0 : i32
    %dma_start3A_3 = arith.constant 0 : i32
    %dma_start3A_4 = tpu.memref_slice %arg7[%dma_start3A, %dma_start3A_3] : memref<4x128xi32, #tpu.memory_space<vmem>> -> memref<1x128xi32, #tpu.memory_space<vmem>>
    %dma_start3A_5 = tpu.memref_squeeze %dma_start3A_4 : memref<1x128xi32, #tpu.memory_space<vmem>> -> memref<128xi32, #tpu.memory_space<vmem>>
    %dma_start3A_6 = arith.constant 0 : i32
    %dma_start3A_7 = arith.constant 0 : i32
    %dma_start3A_8 = tpu.memref_slice %arg2[%dma_start3A_6, %dma_start3A_7] : memref<100000x128xf32, #tpu.memory_space<hbm>> -> memref<100000x128xf32, #tpu.memory_space<hbm>>
    tpu.enqueue_indirect_dma source(%dma_start3A_8 : memref<100000x128xf32, #tpu.memory_space<hbm>>) target(%arg8 : memref<128x128xf32, #tpu.memory_space<vmem>>) offsets(%dma_start3A_5 : memref<128xi32, #tpu.memory_space<vmem>>) semaphore(%arg14 : memref<!tpu.dma_semaphore, #tpu.memory_space<semaphore_mem>>)
    %dma_start3A_9 = arith.constant 0 : i32
    %dma_start3A_10 = arith.constant 0 : i32
    %dma_start3A_11 = tpu.memref_slice %arg7[%dma_start3A_9, %dma_start3A_10] : memref<4x128xi32, #tpu.memory_space<vmem>> -> memref<1x128xi32, #tpu.memory_space<vmem>>
    %dma_start3A_12 = tpu.memref_squeeze %dma_start3A_11 : memref<1x128xi32, #tpu.memory_space<vmem>> -> memref<128xi32, #tpu.memory_space<vmem>>
    %dma_start3A_13 = arith.constant 0 : i32
    %dma_start3A_14 = arith.constant 0 : i32
    %dma_start3A_15 = tpu.memref_slice %arg3[%dma_start3A_13, %dma_start3A_14] : memref<100000x128xf32, #tpu.memory_space<hbm>> -> memref<100000x128xf32, #tpu.memory_space<hbm>>
    tpu.enqueue_indirect_dma source(%dma_start3A_15 : memref<100000x128xf32, #tpu.memory_space<hbm>>) target(%arg11 : memref<128x128xf32, #tpu.memory_space<vmem>>) offsets(%dma_start3A_12 : memref<128xi32, #tpu.memory_space<vmem>>) semaphore(%arg17 : memref<!tpu.dma_semaphore, #tpu.memory_space<semaphore_mem>>)
    %dma_start3A_16 = arith.constant 1 : i32
    %dma_start3A_17 = arith.constant 0 : i32
    %dma_start3A_18 = tpu.memref_slice %arg7[%dma_start3A_16, %dma_start3A_17] : memref<4x128xi32, #tpu.memory_space<vmem>> -> memref<1x128xi32, #tpu.memory_space<vmem>>
    %dma_start3A_19 = tpu.memref_squeeze %dma_start3A_18 : memref<1x128xi32, #tpu.memory_space<vmem>> -> memref<128xi32, #tpu.memory_space<vmem>>
    %dma_start3A_20 = arith.constant 0 : i32
    %dma_start3A_21 = arith.constant 0 : i32
    %dma_start3A_22 = tpu.memref_slice %arg2[%dma_start3A_20, %dma_start3A_21] : memref<100000x128xf32, #tpu.memory_space<hbm>> -> memref<100000x128xf32, #tpu.memory_space<hbm>>
    tpu.enqueue_indirect_dma source(%dma_start3A_22 : memref<100000x128xf32, #tpu.memory_space<hbm>>) target(%arg9 : memref<128x128xf32, #tpu.memory_space<vmem>>) offsets(%dma_start3A_19 : memref<128xi32, #tpu.memory_space<vmem>>) semaphore(%arg15 : memref<!tpu.dma_semaphore, #tpu.memory_space<semaphore_mem>>)
    %dma_start3A_23 = arith.constant 1 : i32
    %dma_start3A_24 = arith.constant 0 : i32
    %dma_start3A_25 = tpu.memref_slice %arg7[%dma_start3A_23, %dma_start3A_24] : memref<4x128xi32, #tpu.memory_space<vmem>> -> memref<1x128xi32, #tpu.memory_space<vmem>>
    %dma_start3A_26 = tpu.memref_squeeze %dma_start3A_25 : memref<1x128xi32, #tpu.memory_space<vmem>> -> memref<128xi32, #tpu.memory_space<vmem>>
    %dma_start3A_27 = arith.constant 0 : i32
    %dma_start3A_28 = arith.constant 0 : i32
    %dma_start3A_29 = tpu.memref_slice %arg3[%dma_start3A_27, %dma_start3A_28] : memref<100000x128xf32, #tpu.memory_space<hbm>> -> memref<100000x128xf32, #tpu.memory_space<hbm>>
    tpu.enqueue_indirect_dma source(%dma_start3A_29 : memref<100000x128xf32, #tpu.memory_space<hbm>>) target(%arg12 : memref<128x128xf32, #tpu.memory_space<vmem>>) offsets(%dma_start3A_26 : memref<128xi32, #tpu.memory_space<vmem>>) semaphore(%arg18 : memref<!tpu.dma_semaphore, #tpu.memory_space<semaphore_mem>>)
    %dma_start3A_30 = arith.constant 2 : i32
    %dma_start3A_31 = arith.constant 0 : i32
    %dma_start3A_32 = tpu.memref_slice %arg7[%dma_start3A_30, %dma_start3A_31] : memref<4x128xi32, #tpu.memory_space<vmem>> -> memref<1x128xi32, #tpu.memory_space<vmem>>
    %dma_start3A_33 = tpu.memref_squeeze %dma_start3A_32 : memref<1x128xi32, #tpu.memory_space<vmem>> -> memref<128xi32, #tpu.memory_space<vmem>>
    %dma_start3A_34 = arith.constant 0 : i32
    %dma_start3A_35 = arith.constant 0 : i32
    %dma_start3A_36 = tpu.memref_slice %arg2[%dma_start3A_34, %dma_start3A_35] : memref<100000x128xf32, #tpu.memory_space<hbm>> -> memref<100000x128xf32, #tpu.memory_space<hbm>>
    tpu.enqueue_indirect_dma source(%dma_start3A_36 : memref<100000x128xf32, #tpu.memory_space<hbm>>) target(%arg10 : memref<128x128xf32, #tpu.memory_space<vmem>>) offsets(%dma_start3A_33 : memref<128xi32, #tpu.memory_space<vmem>>) semaphore(%arg16 : memref<!tpu.dma_semaphore, #tpu.memory_space<semaphore_mem>>)
    %dma_start3A_37 = arith.constant 2 : i32
    %dma_start3A_38 = arith.constant 0 : i32
    %dma_start3A_39 = tpu.memref_slice %arg7[%dma_start3A_37, %dma_start3A_38] : memref<4x128xi32, #tpu.memory_space<vmem>> -> memref<1x128xi32, #tpu.memory_space<vmem>>
    %dma_start3A_40 = tpu.memref_squeeze %dma_start3A_39 : memref<1x128xi32, #tpu.memory_space<vmem>> -> memref<128xi32, #tpu.memory_space<vmem>>
    %dma_start3A_41 = arith.constant 0 : i32
    %dma_start3A_42 = arith.constant 0 : i32
    %dma_start3A_43 = tpu.memref_slice %arg3[%dma_start3A_41, %dma_start3A_42] : memref<100000x128xf32, #tpu.memory_space<hbm>> -> memref<100000x128xf32, #tpu.memory_space<hbm>>
    tpu.enqueue_indirect_dma source(%dma_start3A_43 : memref<100000x128xf32, #tpu.memory_space<hbm>>) target(%arg13 : memref<128x128xf32, #tpu.memory_space<vmem>>) offsets(%dma_start3A_40 : memref<128xi32, #tpu.memory_space<vmem>>) semaphore(%arg19 : memref<!tpu.dma_semaphore, #tpu.memory_space<semaphore_mem>>)
    %dma_wait3A = arith.constant 0 : i32
    %dma_wait3A_44 = arith.constant 0 : i32
    %dma_wait3A_45 = tpu.memref_slice %arg7[%dma_wait3A, %dma_wait3A_44] : memref<4x128xi32, #tpu.memory_space<vmem>> -> memref<1x128xi32, #tpu.memory_space<vmem>>
    %dma_wait3A_46 = tpu.memref_squeeze %dma_wait3A_45 : memref<1x128xi32, #tpu.memory_space<vmem>> -> memref<128xi32, #tpu.memory_space<vmem>>
    %dma_wait3A_47 = arith.constant 0 : i32
    %dma_wait3A_48 = arith.constant 0 : i32
    %dma_wait3A_49 = tpu.memref_slice %arg2[%dma_wait3A_47, %dma_wait3A_48] : memref<100000x128xf32, #tpu.memory_space<hbm>> -> memref<100000x128xf32, #tpu.memory_space<hbm>>
    tpu.wait_indirect_dma semaphore(%arg14 : memref<!tpu.dma_semaphore, #tpu.memory_space<semaphore_mem>>) src(%dma_wait3A_49 : memref<100000x128xf32, #tpu.memory_space<hbm>>) dst(%arg8 : memref<128x128xf32, #tpu.memory_space<vmem>>)
    %dma_wait3A_50 = arith.constant 0 : i32
    %dma_wait3A_51 = arith.constant 0 : i32
    %dma_wait3A_52 = tpu.memref_slice %arg7[%dma_wait3A_50, %dma_wait3A_51] : memref<4x128xi32, #tpu.memory_space<vmem>> -> memref<1x128xi32, #tpu.memory_space<vmem>>
    %dma_wait3A_53 = tpu.memref_squeeze %dma_wait3A_52 : memref<1x128xi32, #tpu.memory_space<vmem>> -> memref<128xi32, #tpu.memory_space<vmem>>
    %dma_wait3A_54 = arith.constant 0 : i32
    %dma_wait3A_55 = arith.constant 0 : i32
    %dma_wait3A_56 = tpu.memref_slice %arg3[%dma_wait3A_54, %dma_wait3A_55] : memref<100000x128xf32, #tpu.memory_space<hbm>> -> memref<100000x128xf32, #tpu.memory_space<hbm>>
    tpu.wait_indirect_dma semaphore(%arg17 : memref<!tpu.dma_semaphore, #tpu.memory_space<semaphore_mem>>) src(%dma_wait3A_56 : memref<100000x128xf32, #tpu.memory_space<hbm>>) dst(%arg11 : memref<128x128xf32, #tpu.memory_space<vmem>>)
    %add3A_57 = arith.constant 0 : i32
    %add3A_58 = arith.addi %mul3A_2, %add3A_57 : i32
    "tpu.region"() ({
      %run_scoped3A = tpu.sem_alloc : memref<!tpu.dma_semaphore, #tpu.memory_space<semaphore_mem>>
      %dma_start3A_121 = arith.constant 0 : i32
      %dma_start3A_122 = tpu.memref_slice %arg5[%add3A_58, %dma_start3A_121] : memref<16384x128xf32, #tpu.memory_space<hbm>> -> memref<128x128xf32, #tpu.memory_space<hbm>>
      %dma_start3A_123 = arith.constant 0 : i32
      %dma_start3A_124 = tpu.memref_slice %arg5[%add3A_58, %dma_start3A_123] : memref<16384x128xf32, #tpu.memory_space<hbm>> -> memref<128x128xf32, #tpu.memory_space<hbm>>
      tpu.enqueue_dma source(%arg8 : memref<128x128xf32, #tpu.memory_space<vmem>>) target(%dma_start3A_124 : memref<128x128xf32, #tpu.memory_space<hbm>>) target_semaphore(%run_scoped3A : memref<!tpu.dma_semaphore, #tpu.memory_space<semaphore_mem>>)
      %dma_wait3A_125 = arith.constant 0 : i32
      %dma_wait3A_126 = tpu.memref_slice %arg5[%add3A_58, %dma_wait3A_125] : memref<16384x128xf32, #tpu.memory_space<hbm>> -> memref<128x128xf32, #tpu.memory_space<hbm>>
      %dma_wait3A_127 = arith.constant 0 : i32
      %dma_wait3A_128 = tpu.memref_slice %arg5[%add3A_58, %dma_wait3A_127] : memref<16384x128xf32, #tpu.memory_space<hbm>> -> memref<128x128xf32, #tpu.memory_space<hbm>>
      tpu.wait_dma2 semaphore(%run_scoped3A : memref<!tpu.dma_semaphore, #tpu.memory_space<semaphore_mem>>) src(%arg8 : memref<128x128xf32, #tpu.memory_space<vmem>>) dst(%dma_wait3A_128 : memref<128x128xf32, #tpu.memory_space<hbm>>)
      tpu.yield
    }) : () -> ()
    "tpu.region"() ({
      %run_scoped3A = tpu.sem_alloc : memref<!tpu.dma_semaphore, #tpu.memory_space<semaphore_mem>>
      %dma_start3A_121 = arith.constant 0 : i32
      %dma_start3A_122 = tpu.memref_slice %arg6[%add3A_58, %dma_start3A_121] : memref<16384x128xf32, #tpu.memory_space<hbm>> -> memref<128x128xf32, #tpu.memory_space<hbm>>
      %dma_start3A_123 = arith.constant 0 : i32
      %dma_start3A_124 = tpu.memref_slice %arg6[%add3A_58, %dma_start3A_123] : memref<16384x128xf32, #tpu.memory_space<hbm>> -> memref<128x128xf32, #tpu.memory_space<hbm>>
      tpu.enqueue_dma source(%arg11 : memref<128x128xf32, #tpu.memory_space<vmem>>) target(%dma_start3A_124 : memref<128x128xf32, #tpu.memory_space<hbm>>) target_semaphore(%run_scoped3A : memref<!tpu.dma_semaphore, #tpu.memory_space<semaphore_mem>>)
      %dma_wait3A_125 = arith.constant 0 : i32
      %dma_wait3A_126 = tpu.memref_slice %arg6[%add3A_58, %dma_wait3A_125] : memref<16384x128xf32, #tpu.memory_space<hbm>> -> memref<128x128xf32, #tpu.memory_space<hbm>>
      %dma_wait3A_127 = arith.constant 0 : i32
      %dma_wait3A_128 = tpu.memref_slice %arg6[%add3A_58, %dma_wait3A_127] : memref<16384x128xf32, #tpu.memory_space<hbm>> -> memref<128x128xf32, #tpu.memory_space<hbm>>
      tpu.wait_dma2 semaphore(%run_scoped3A : memref<!tpu.dma_semaphore, #tpu.memory_space<semaphore_mem>>) src(%arg11 : memref<128x128xf32, #tpu.memory_space<vmem>>) dst(%dma_wait3A_128 : memref<128x128xf32, #tpu.memory_space<hbm>>)
      tpu.yield
    }) : () -> ()
    %dma_start3A_59 = arith.constant 3 : i32
    %dma_start3A_60 = arith.constant 0 : i32
    %dma_start3A_61 = tpu.memref_slice %arg7[%dma_start3A_59, %dma_start3A_60] : memref<4x128xi32, #tpu.memory_space<vmem>> -> memref<1x128xi32, #tpu.memory_space<vmem>>
    %dma_start3A_62 = tpu.memref_squeeze %dma_start3A_61 : memref<1x128xi32, #tpu.memory_space<vmem>> -> memref<128xi32, #tpu.memory_space<vmem>>
    %dma_start3A_63 = arith.constant 0 : i32
    %dma_start3A_64 = arith.constant 0 : i32
    %dma_start3A_65 = tpu.memref_slice %arg2[%dma_start3A_63, %dma_start3A_64] : memref<100000x128xf32, #tpu.memory_space<hbm>> -> memref<100000x128xf32, #tpu.memory_space<hbm>>
    tpu.enqueue_indirect_dma source(%dma_start3A_65 : memref<100000x128xf32, #tpu.memory_space<hbm>>) target(%arg8 : memref<128x128xf32, #tpu.memory_space<vmem>>) offsets(%dma_start3A_62 : memref<128xi32, #tpu.memory_space<vmem>>) semaphore(%arg14 : memref<!tpu.dma_semaphore, #tpu.memory_space<semaphore_mem>>)
    %dma_start3A_66 = arith.constant 3 : i32
    %dma_start3A_67 = arith.constant 0 : i32
    %dma_start3A_68 = tpu.memref_slice %arg7[%dma_start3A_66, %dma_start3A_67] : memref<4x128xi32, #tpu.memory_space<vmem>> -> memref<1x128xi32, #tpu.memory_space<vmem>>
    %dma_start3A_69 = tpu.memref_squeeze %dma_start3A_68 : memref<1x128xi32, #tpu.memory_space<vmem>> -> memref<128xi32, #tpu.memory_space<vmem>>
    %dma_start3A_70 = arith.constant 0 : i32
    %dma_start3A_71 = arith.constant 0 : i32
    %dma_start3A_72 = tpu.memref_slice %arg3[%dma_start3A_70, %dma_start3A_71] : memref<100000x128xf32, #tpu.memory_space<hbm>> -> memref<100000x128xf32, #tpu.memory_space<hbm>>
    tpu.enqueue_indirect_dma source(%dma_start3A_72 : memref<100000x128xf32, #tpu.memory_space<hbm>>) target(%arg11 : memref<128x128xf32, #tpu.memory_space<vmem>>) offsets(%dma_start3A_69 : memref<128xi32, #tpu.memory_space<vmem>>) semaphore(%arg17 : memref<!tpu.dma_semaphore, #tpu.memory_space<semaphore_mem>>)
    %dma_wait3A_73 = arith.constant 1 : i32
    %dma_wait3A_74 = arith.constant 0 : i32
    %dma_wait3A_75 = tpu.memref_slice %arg7[%dma_wait3A_73, %dma_wait3A_74] : memref<4x128xi32, #tpu.memory_space<vmem>> -> memref<1x128xi32, #tpu.memory_space<vmem>>
    %dma_wait3A_76 = tpu.memref_squeeze %dma_wait3A_75 : memref<1x128xi32, #tpu.memory_space<vmem>> -> memref<128xi32, #tpu.memory_space<vmem>>
    %dma_wait3A_77 = arith.constant 0 : i32
    %dma_wait3A_78 = arith.constant 0 : i32
    %dma_wait3A_79 = tpu.memref_slice %arg2[%dma_wait3A_77, %dma_wait3A_78] : memref<100000x128xf32, #tpu.memory_space<hbm>> -> memref<100000x128xf32, #tpu.memory_space<hbm>>
    tpu.wait_indirect_dma semaphore(%arg15 : memref<!tpu.dma_semaphore, #tpu.memory_space<semaphore_mem>>) src(%dma_wait3A_79 : memref<100000x128xf32, #tpu.memory_space<hbm>>) dst(%arg9 : memref<128x128xf32, #tpu.memory_space<vmem>>)
    %dma_wait3A_80 = arith.constant 1 : i32
    %dma_wait3A_81 = arith.constant 0 : i32
    %dma_wait3A_82 = tpu.memref_slice %arg7[%dma_wait3A_80, %dma_wait3A_81] : memref<4x128xi32, #tpu.memory_space<vmem>> -> memref<1x128xi32, #tpu.memory_space<vmem>>
    %dma_wait3A_83 = tpu.memref_squeeze %dma_wait3A_82 : memref<1x128xi32, #tpu.memory_space<vmem>> -> memref<128xi32, #tpu.memory_space<vmem>>
    %dma_wait3A_84 = arith.constant 0 : i32
    %dma_wait3A_85 = arith.constant 0 : i32
    %dma_wait3A_86 = tpu.memref_slice %arg3[%dma_wait3A_84, %dma_wait3A_85] : memref<100000x128xf32, #tpu.memory_space<hbm>> -> memref<100000x128xf32, #tpu.memory_space<hbm>>
    tpu.wait_indirect_dma semaphore(%arg18 : memref<!tpu.dma_semaphore, #tpu.memory_space<semaphore_mem>>) src(%dma_wait3A_86 : memref<100000x128xf32, #tpu.memory_space<hbm>>) dst(%arg12 : memref<128x128xf32, #tpu.memory_space<vmem>>)
    %add3A_87 = arith.constant 128 : i32
    %add3A_88 = arith.addi %mul3A_2, %add3A_87 : i32
    "tpu.region"() ({
      %run_scoped3A = tpu.sem_alloc : memref<!tpu.dma_semaphore, #tpu.memory_space<semaphore_mem>>
      %dma_start3A_121 = arith.constant 0 : i32
      %dma_start3A_122 = tpu.memref_slice %arg5[%add3A_88, %dma_start3A_121] : memref<16384x128xf32, #tpu.memory_space<hbm>> -> memref<128x128xf32, #tpu.memory_space<hbm>>
      %dma_start3A_123 = arith.constant 0 : i32
      %dma_start3A_124 = tpu.memref_slice %arg5[%add3A_88, %dma_start3A_123] : memref<16384x128xf32, #tpu.memory_space<hbm>> -> memref<128x128xf32, #tpu.memory_space<hbm>>
      tpu.enqueue_dma source(%arg9 : memref<128x128xf32, #tpu.memory_space<vmem>>) target(%dma_start3A_124 : memref<128x128xf32, #tpu.memory_space<hbm>>) target_semaphore(%run_scoped3A : memref<!tpu.dma_semaphore, #tpu.memory_space<semaphore_mem>>)
      %dma_wait3A_125 = arith.constant 0 : i32
      %dma_wait3A_126 = tpu.memref_slice %arg5[%add3A_88, %dma_wait3A_125] : memref<16384x128xf32, #tpu.memory_space<hbm>> -> memref<128x128xf32, #tpu.memory_space<hbm>>
      %dma_wait3A_127 = arith.constant 0 : i32
      %dma_wait3A_128 = tpu.memref_slice %arg5[%add3A_88, %dma_wait3A_127] : memref<16384x128xf32, #tpu.memory_space<hbm>> -> memref<128x128xf32, #tpu.memory_space<hbm>>
      tpu.wait_dma2 semaphore(%run_scoped3A : memref<!tpu.dma_semaphore, #tpu.memory_space<semaphore_mem>>) src(%arg9 : memref<128x128xf32, #tpu.memory_space<vmem>>) dst(%dma_wait3A_128 : memref<128x128xf32, #tpu.memory_space<hbm>>)
      tpu.yield
    }) : () -> ()
    "tpu.region"() ({
      %run_scoped3A = tpu.sem_alloc : memref<!tpu.dma_semaphore, #tpu.memory_space<semaphore_mem>>
      %dma_start3A_121 = arith.constant 0 : i32
      %dma_start3A_122 = tpu.memref_slice %arg6[%add3A_88, %dma_start3A_121] : memref<16384x128xf32, #tpu.memory_space<hbm>> -> memref<128x128xf32, #tpu.memory_space<hbm>>
      %dma_start3A_123 = arith.constant 0 : i32
      %dma_start3A_124 = tpu.memref_slice %arg6[%add3A_88, %dma_start3A_123] : memref<16384x128xf32, #tpu.memory_space<hbm>> -> memref<128x128xf32, #tpu.memory_space<hbm>>
      tpu.enqueue_dma source(%arg12 : memref<128x128xf32, #tpu.memory_space<vmem>>) target(%dma_start3A_124 : memref<128x128xf32, #tpu.memory_space<hbm>>) target_semaphore(%run_scoped3A : memref<!tpu.dma_semaphore, #tpu.memory_space<semaphore_mem>>)
      %dma_wait3A_125 = arith.constant 0 : i32
      %dma_wait3A_126 = tpu.memref_slice %arg6[%add3A_88, %dma_wait3A_125] : memref<16384x128xf32, #tpu.memory_space<hbm>> -> memref<128x128xf32, #tpu.memory_space<hbm>>
      %dma_wait3A_127 = arith.constant 0 : i32
      %dma_wait3A_128 = tpu.memref_slice %arg6[%add3A_88, %dma_wait3A_127] : memref<16384x128xf32, #tpu.memory_space<hbm>> -> memref<128x128xf32, #tpu.memory_space<hbm>>
      tpu.wait_dma2 semaphore(%run_scoped3A : memref<!tpu.dma_semaphore, #tpu.memory_space<semaphore_mem>>) src(%arg12 : memref<128x128xf32, #tpu.memory_space<vmem>>) dst(%dma_wait3A_128 : memref<128x128xf32, #tpu.memory_space<hbm>>)
      tpu.yield
    }) : () -> ()
    %dma_wait3A_89 = arith.constant 2 : i32
    %dma_wait3A_90 = arith.constant 0 : i32
    %dma_wait3A_91 = tpu.memref_slice %arg7[%dma_wait3A_89, %dma_wait3A_90] : memref<4x128xi32, #tpu.memory_space<vmem>> -> memref<1x128xi32, #tpu.memory_space<vmem>>
    %dma_wait3A_92 = tpu.memref_squeeze %dma_wait3A_91 : memref<1x128xi32, #tpu.memory_space<vmem>> -> memref<128xi32, #tpu.memory_space<vmem>>
    %dma_wait3A_93 = arith.constant 0 : i32
    %dma_wait3A_94 = arith.constant 0 : i32
    %dma_wait3A_95 = tpu.memref_slice %arg2[%dma_wait3A_93, %dma_wait3A_94] : memref<100000x128xf32, #tpu.memory_space<hbm>> -> memref<100000x128xf32, #tpu.memory_space<hbm>>
    tpu.wait_indirect_dma semaphore(%arg16 : memref<!tpu.dma_semaphore, #tpu.memory_space<semaphore_mem>>) src(%dma_wait3A_95 : memref<100000x128xf32, #tpu.memory_space<hbm>>) dst(%arg10 : memref<128x128xf32, #tpu.memory_space<vmem>>)
    %dma_wait3A_96 = arith.constant 2 : i32
    %dma_wait3A_97 = arith.constant 0 : i32
    %dma_wait3A_98 = tpu.memref_slice %arg7[%dma_wait3A_96, %dma_wait3A_97] : memref<4x128xi32, #tpu.memory_space<vmem>> -> memref<1x128xi32, #tpu.memory_space<vmem>>
    %dma_wait3A_99 = tpu.memref_squeeze %dma_wait3A_98 : memref<1x128xi32, #tpu.memory_space<vmem>> -> memref<128xi32, #tpu.memory_space<vmem>>
    %dma_wait3A_100 = arith.constant 0 : i32
    %dma_wait3A_101 = arith.constant 0 : i32
    %dma_wait3A_102 = tpu.memref_slice %arg3[%dma_wait3A_100, %dma_wait3A_101] : memref<100000x128xf32, #tpu.memory_space<hbm>> -> memref<100000x128xf32, #tpu.memory_space<hbm>>
    tpu.wait_indirect_dma semaphore(%arg19 : memref<!tpu.dma_semaphore, #tpu.memory_space<semaphore_mem>>) src(%dma_wait3A_102 : memref<100000x128xf32, #tpu.memory_space<hbm>>) dst(%arg13 : memref<128x128xf32, #tpu.memory_space<vmem>>)
    %add3A_103 = arith.constant 256 : i32
    %add3A_104 = arith.addi %mul3A_2, %add3A_103 : i32
    "tpu.region"() ({
      %run_scoped3A = tpu.sem_alloc : memref<!tpu.dma_semaphore, #tpu.memory_space<semaphore_mem>>
      %dma_start3A_121 = arith.constant 0 : i32
      %dma_start3A_122 = tpu.memref_slice %arg5[%add3A_104, %dma_start3A_121] : memref<16384x128xf32, #tpu.memory_space<hbm>> -> memref<128x128xf32, #tpu.memory_space<hbm>>
      %dma_start3A_123 = arith.constant 0 : i32
      %dma_start3A_124 = tpu.memref_slice %arg5[%add3A_104, %dma_start3A_123] : memref<16384x128xf32, #tpu.memory_space<hbm>> -> memref<128x128xf32, #tpu.memory_space<hbm>>
      tpu.enqueue_dma source(%arg10 : memref<128x128xf32, #tpu.memory_space<vmem>>) target(%dma_start3A_124 : memref<128x128xf32, #tpu.memory_space<hbm>>) target_semaphore(%run_scoped3A : memref<!tpu.dma_semaphore, #tpu.memory_space<semaphore_mem>>)
      %dma_wait3A_125 = arith.constant 0 : i32
      %dma_wait3A_126 = tpu.memref_slice %arg5[%add3A_104, %dma_wait3A_125] : memref<16384x128xf32, #tpu.memory_space<hbm>> -> memref<128x128xf32, #tpu.memory_space<hbm>>
      %dma_wait3A_127 = arith.constant 0 : i32
      %dma_wait3A_128 = tpu.memref_slice %arg5[%add3A_104, %dma_wait3A_127] : memref<16384x128xf32, #tpu.memory_space<hbm>> -> memref<128x128xf32, #tpu.memory_space<hbm>>
      tpu.wait_dma2 semaphore(%run_scoped3A : memref<!tpu.dma_semaphore, #tpu.memory_space<semaphore_mem>>) src(%arg10 : memref<128x128xf32, #tpu.memory_space<vmem>>) dst(%dma_wait3A_128 : memref<128x128xf32, #tpu.memory_space<hbm>>)
      tpu.yield
    }) : () -> ()
    "tpu.region"() ({
      %run_scoped3A = tpu.sem_alloc : memref<!tpu.dma_semaphore, #tpu.memory_space<semaphore_mem>>
      %dma_start3A_121 = arith.constant 0 : i32
      %dma_start3A_122 = tpu.memref_slice %arg6[%add3A_104, %dma_start3A_121] : memref<16384x128xf32, #tpu.memory_space<hbm>> -> memref<128x128xf32, #tpu.memory_space<hbm>>
      %dma_start3A_123 = arith.constant 0 : i32
      %dma_start3A_124 = tpu.memref_slice %arg6[%add3A_104, %dma_start3A_123] : memref<16384x128xf32, #tpu.memory_space<hbm>> -> memref<128x128xf32, #tpu.memory_space<hbm>>
      tpu.enqueue_dma source(%arg13 : memref<128x128xf32, #tpu.memory_space<vmem>>) target(%dma_start3A_124 : memref<128x128xf32, #tpu.memory_space<hbm>>) target_semaphore(%run_scoped3A : memref<!tpu.dma_semaphore, #tpu.memory_space<semaphore_mem>>)
      %dma_wait3A_125 = arith.constant 0 : i32
      %dma_wait3A_126 = tpu.memref_slice %arg6[%add3A_104, %dma_wait3A_125] : memref<16384x128xf32, #tpu.memory_space<hbm>> -> memref<128x128xf32, #tpu.memory_space<hbm>>
      %dma_wait3A_127 = arith.constant 0 : i32
      %dma_wait3A_128 = tpu.memref_slice %arg6[%add3A_104, %dma_wait3A_127] : memref<16384x128xf32, #tpu.memory_space<hbm>> -> memref<128x128xf32, #tpu.memory_space<hbm>>
      tpu.wait_dma2 semaphore(%run_scoped3A : memref<!tpu.dma_semaphore, #tpu.memory_space<semaphore_mem>>) src(%arg13 : memref<128x128xf32, #tpu.memory_space<vmem>>) dst(%dma_wait3A_128 : memref<128x128xf32, #tpu.memory_space<hbm>>)
      tpu.yield
    }) : () -> ()
    %dma_wait3A_105 = arith.constant 3 : i32
    %dma_wait3A_106 = arith.constant 0 : i32
    %dma_wait3A_107 = tpu.memref_slice %arg7[%dma_wait3A_105, %dma_wait3A_106] : memref<4x128xi32, #tpu.memory_space<vmem>> -> memref<1x128xi32, #tpu.memory_space<vmem>>
    %dma_wait3A_108 = tpu.memref_squeeze %dma_wait3A_107 : memref<1x128xi32, #tpu.memory_space<vmem>> -> memref<128xi32, #tpu.memory_space<vmem>>
    %dma_wait3A_109 = arith.constant 0 : i32
    %dma_wait3A_110 = arith.constant 0 : i32
    %dma_wait3A_111 = tpu.memref_slice %arg2[%dma_wait3A_109, %dma_wait3A_110] : memref<100000x128xf32, #tpu.memory_space<hbm>> -> memref<100000x128xf32, #tpu.memory_space<hbm>>
    tpu.wait_indirect_dma semaphore(%arg14 : memref<!tpu.dma_semaphore, #tpu.memory_space<semaphore_mem>>) src(%dma_wait3A_111 : memref<100000x128xf32, #tpu.memory_space<hbm>>) dst(%arg8 : memref<128x128xf32, #tpu.memory_space<vmem>>)
    %dma_wait3A_112 = arith.constant 3 : i32
    %dma_wait3A_113 = arith.constant 0 : i32
    %dma_wait3A_114 = tpu.memref_slice %arg7[%dma_wait3A_112, %dma_wait3A_113] : memref<4x128xi32, #tpu.memory_space<vmem>> -> memref<1x128xi32, #tpu.memory_space<vmem>>
    %dma_wait3A_115 = tpu.memref_squeeze %dma_wait3A_114 : memref<1x128xi32, #tpu.memory_space<vmem>> -> memref<128xi32, #tpu.memory_space<vmem>>
    %dma_wait3A_116 = arith.constant 0 : i32
    %dma_wait3A_117 = arith.constant 0 : i32
    %dma_wait3A_118 = tpu.memref_slice %arg3[%dma_wait3A_116, %dma_wait3A_117] : memref<100000x128xf32, #tpu.memory_space<hbm>> -> memref<100000x128xf32, #tpu.memory_space<hbm>>
    tpu.wait_indirect_dma semaphore(%arg17 : memref<!tpu.dma_semaphore, #tpu.memory_space<semaphore_mem>>) src(%dma_wait3A_118 : memref<100000x128xf32, #tpu.memory_space<hbm>>) dst(%arg11 : memref<128x128xf32, #tpu.memory_space<vmem>>)
    %add3A_119 = arith.constant 384 : i32
    %add3A_120 = arith.addi %mul3A_2, %add3A_119 : i32
    "tpu.region"() ({
      %run_scoped3A = tpu.sem_alloc : memref<!tpu.dma_semaphore, #tpu.memory_space<semaphore_mem>>
      %dma_start3A_121 = arith.constant 0 : i32
      %dma_start3A_122 = tpu.memref_slice %arg5[%add3A_120, %dma_start3A_121] : memref<16384x128xf32, #tpu.memory_space<hbm>> -> memref<128x128xf32, #tpu.memory_space<hbm>>
      %dma_start3A_123 = arith.constant 0 : i32
      %dma_start3A_124 = tpu.memref_slice %arg5[%add3A_120, %dma_start3A_123] : memref<16384x128xf32, #tpu.memory_space<hbm>> -> memref<128x128xf32, #tpu.memory_space<hbm>>
      tpu.enqueue_dma source(%arg8 : memref<128x128xf32, #tpu.memory_space<vmem>>) target(%dma_start3A_124 : memref<128x128xf32, #tpu.memory_space<hbm>>) target_semaphore(%run_scoped3A : memref<!tpu.dma_semaphore, #tpu.memory_space<semaphore_mem>>)
      %dma_wait3A_125 = arith.constant 0 : i32
      %dma_wait3A_126 = tpu.memref_slice %arg5[%add3A_120, %dma_wait3A_125] : memref<16384x128xf32, #tpu.memory_space<hbm>> -> memref<128x128xf32, #tpu.memory_space<hbm>>
      %dma_wait3A_127 = arith.constant 0 : i32
      %dma_wait3A_128 = tpu.memref_slice %arg5[%add3A_120, %dma_wait3A_127] : memref<16384x128xf32, #tpu.memory_space<hbm>> -> memref<128x128xf32, #tpu.memory_space<hbm>>
      tpu.wait_dma2 semaphore(%run_scoped3A : memref<!tpu.dma_semaphore, #tpu.memory_space<semaphore_mem>>) src(%arg8 : memref<128x128xf32, #tpu.memory_space<vmem>>) dst(%dma_wait3A_128 : memref<128x128xf32, #tpu.memory_space<hbm>>)
      tpu.yield
    }) : () -> ()
    "tpu.region"() ({
      %run_scoped3A = tpu.sem_alloc : memref<!tpu.dma_semaphore, #tpu.memory_space<semaphore_mem>>
      %dma_start3A_121 = arith.constant 0 : i32
      %dma_start3A_122 = tpu.memref_slice %arg6[%add3A_120, %dma_start3A_121] : memref<16384x128xf32, #tpu.memory_space<hbm>> -> memref<128x128xf32, #tpu.memory_space<hbm>>
      %dma_start3A_123 = arith.constant 0 : i32
      %dma_start3A_124 = tpu.memref_slice %arg6[%add3A_120, %dma_start3A_123] : memref<16384x128xf32, #tpu.memory_space<hbm>> -> memref<128x128xf32, #tpu.memory_space<hbm>>
      tpu.enqueue_dma source(%arg11 : memref<128x128xf32, #tpu.memory_space<vmem>>) target(%dma_start3A_124 : memref<128x128xf32, #tpu.memory_space<hbm>>) target_semaphore(%run_scoped3A : memref<!tpu.dma_semaphore, #tpu.memory_space<semaphore_mem>>)
      %dma_wait3A_125 = arith.constant 0 : i32
      %dma_wait3A_126 = tpu.memref_slice %arg6[%add3A_120, %dma_wait3A_125] : memref<16384x128xf32, #tpu.memory_space<hbm>> -> memref<128x128xf32, #tpu.memory_space<hbm>>
      %dma_wait3A_127 = arith.constant 0 : i32
      %dma_wait3A_128 = tpu.memref_slice %arg6[%add3A_120, %dma_wait3A_127] : memref<16384x128xf32, #tpu.memory_space<hbm>> -> memref<128x128xf32, #tpu.memory_space<hbm>>
      tpu.wait_dma2 semaphore(%run_scoped3A : memref<!tpu.dma_semaphore, #tpu.memory_space<semaphore_mem>>) src(%arg11 : memref<128x128xf32, #tpu.memory_space<vmem>>) dst(%dma_wait3A_128 : memref<128x128xf32, #tpu.memory_space<hbm>>)
      tpu.yield
    }) : () -> ()
    return
  }
}

</mosaic_0001>

<sc_bundles>
// kernel: _sc_gather2.3.cloned.1.call-start
scs
__scs_entry_jumppad:
0x0: {  	(pc) =	sbr.rel $0x88, $3  }
0x1: {  	(tag) =	ssettag $0x0;
	lr =	simm.s32 $0x1  }
0x2: {  	[smem:$0x3F9E] =	sst lr;
	_ =	strace $0xD0000000  }
0x3: {  	_ = 	snop  }
0x4: {  	_ = 	snop  }
0x5: {  	_ = 	snop  }
0x6: {  	_ = 	snop  }
0x7: {  	_ = 	snop  }
__scs_overlays_trampoline_lowered:
0x8: {  	[smem:$0x3FAD] =	sst s0  }
0x9: {  	[smem:$0x3FAE] =	sst s1  }
0xa: {  	[smem:$0x3FAF] =	sst s2  }
0xb: {  	[smem:$0x3FB0] =	sst s3  }
0xc: {  	[smem:$0x3FB1] =	sst s4  }
0xd: {  	[smem:$0x3FB2] =	sst s5  }
0xe: {  	[smem:$0x3FB3] =	sst s6  }
0xf: {  	[smem:$0x3FB4] =	sst s7  }
0x10: {  	[smem:$0x3FB5] =	sst s8  }
0x11: {  	[smem:$0x3FB6] =	sst s9;
	s0 =	simm.s32 @!p0 $0x0  }
0x12: {  	s1 =	sld [smem:$0x3F9C];
	s0 =	simm.s32 @p0 $0x1  }
0x13: {  	[smem:$0x3FB7] =	sst s0;
	s0 =	simm.s32 @!p1 $0x0  }
0x14: {  	s2 =	sld [smem:$0x3F9B];
	s0 =	simm.s32 @p1 $0x1  }
0x15: {  	[smem:$0x3FB8] =	sst s0;
	s0 =	simm.s32 @!p2 $0x0  }
0x16: {  	s3 =	sld [smem:$0x3FDB];
	s0 =	simm.s32 @p2 $0x1  }
0x17: {  	s4 =	simm.s32 $0x1BF5;
	[smem:$0x3FBA] =	sst s0  }
0x18: {  	s0 =	sld [smem:$0x3F9D];
	_ =	swait.ge [sflag:s4], $0x0  }
0x19: {  	s7 =	sld [smem:$0x3F9E]  }
0x1a: {  	s8 =	sadd.s32 $0xFFFFE003, lr  }
0x1b: {  	s9 =	sadd.s32 $0xFFFFFEF7, lr;
	s5 =	simm.s32 $0xFFFFFFFF;
	p2 =	slt.u32 s8, $0xFFFFF086  }
0x1c: {  	p1 =	slt.u32 s9, $0xF7A;
	s5 =	simm.s32 @!p2 $0x0  }
0x1d: {  	s5 =	simm.s32 @p1 $0x1;
	p0 =	seq.s32 s7, s2  }
0x1e: {  	s7 =	smul.u32 @!p0 $0xF7A, s2;
	p2 =	seq.s32 @!p0 s5, $0x0  }
0x1f: {  	s9 =	smul.u32 $0xF7A, s1;
	s8 =	simm.s32 @!p0 $0x1BF5;
	p2 =	por !p2, p0  }
0x20: {  	[sflag:s8] =	ssyncset.s32 @!p0 $0xFFFFF086;
	s6 =	sadd.s32 @!p0 s3, s7;
	s7 =	simm.s32 @!p0 $0x108  }
0x21: {  	s3 =	sadd.s32 s3, s9;
	s6 =	sadd.s32 @!p0 $0x88, s6;
	s7 =	simm.s32 @p2 $0x1082  }
0x22: {  	[simem:s7], [sflag:s8] =	dma.local @!p0 [hbm:s6], $0xF7A  }
0x23: {  	s9 =	sor.u32 $0xD0000000, s2;
	s6 =	simm.s32 $0x108;
	_ =	swait.ge @!p0 [sflag:s8], $0x0  }
0x24: {  	s3 =	sadd.s32 $0x88, s3;
	s6 =	simm.s32 @!p1 $0x1082;
	[sflag:s4] =	ssyncset.s32 $0xFFFFF086  }
0x25: {  	[simem:s6], [sflag:s4] =	dma.local [hbm:s3], $0xF7A  }
0x26: {  	[smem:$0x3F9E] =	sst s1;
	(tag) =	ssettag s2;
	_ =	strace s9  }
0x27: {  	s1 =	sld [smem:$0x3FAE]  }
0x28: {  	s2 =	sld [smem:$0x3FAF]  }
0x29: {  	s4 =	sld [smem:$0x3FB1]  }
0x2a: {  	p0 =	seq.s32 s5, $0x0;
	s5 =	sld [smem:$0x3FB2]  }
0x2b: {  	s6 =	sld [smem:$0x3FB3]  }
0x2c: {  	s7 =	sld [smem:$0x3FB4]  }
0x2d: {  	s3 =	simm.s32 $0x108;
	s8 =	sld [smem:$0x3FB5]  }
0x2e: {  	s3 =	simm.s32 @!p0 $0x1082;
	s9 =	sld [smem:$0x3FB6]  }
0x2f: {  	lr =	sadd.s32 s0, s3;
	s0 =	sld [smem:$0x3FAD]  }
0x30: {  	s3 =	sld [smem:$0x3FB0]  }
0x31: {  	[smem:$0x3FB9] =	sst s10  }
0x32: {  	s10 =	sld [smem:$0x3FB7];
	_ =	sdelay $0x3  }
0x33: {  	p0 =	seq.s32 s10, $0x1;
	s10 =	sld [smem:$0x3FB9];
	_ =	sdelay $0x3  }
0x34: {  	[smem:$0x3FB9] =	sst s10  }
0x35: {  	s10 =	sld [smem:$0x3FB8];
	_ =	sdelay $0x3  }
0x36: {  	p1 =	seq.s32 s10, $0x1;
	s10 =	sld [smem:$0x3FB9];
	_ =	sdelay $0x3  }
0x37: {  	[smem:$0x3FB9] =	sst s10  }
0x38: {  	s10 =	sld [smem:$0x3FBA]  }
0x39: {  	_ = 	snop;
	(pc) =	sbr.ind lr, $3  }
0x3a: {  	_ = 	snop  }
0x3b: {  	_ = 	snop  }
0x3c: {  	p2 =	seq.s32 s10, $0x1;
	s10 =	sld [smem:$0x3FB9]  }
0x3d: {  	_ =	shalt  }
0x3e: {  	_ =	shalt  }
0x3f: {  	_ =	shalt  }
0x40: {  	_ =	shalt  }
0x41: {  	_ =	shalt  }
0x42: {  	_ =	shalt  }
0x43: {  	_ =	shalt  }
0x44: {  	_ =	shalt  }
0x45: {  	_ =	shalt  }
0x46: {  	_ =	shalt  }
0x47: {  	_ =	shalt  }
0x48: {  	_ =	shalt  }
0x49: {  	_ =	shalt  }
0x4a: {  	_ =	shalt  }
0x4b: {  	_ =	shalt  }
0x4c: {  	_ =	shalt  }
0x4d: {  	_ =	shalt  }
0x4e: {  	_ =	shalt  }
0x4f: {  	_ =	shalt  }
0x50: {  	_ =	shalt  }
0x51: {  	_ =	shalt  }
0x52: {  	_ =	shalt  }
0x53: {  	_ =	shalt  }
0x54: {  	_ =	shalt  }
0x55: {  	_ =	shalt  }
0x56: {  	_ =	shalt  }
0x57: {  	_ =	shalt  }
0x58: {  	_ =	shalt  }
0x59: {  	_ =	shalt  }
0x5a: {  	_ =	shalt  }
0x5b: {  	_ =	shalt  }
0x5c: {  	_ =	shalt  }
0x5d: {  	_ =	shalt  }
0x5e: {  	_ =	shalt  }
0x5f: {  	_ =	shalt  }
0x60: {  	_ =	shalt  }
0x61: {  	_ =	shalt  }
0x62: {  	_ =	shalt  }
0x63: {  	_ =	shalt  }
0x64: {  	_ =	shalt  }
0x65: {  	_ =	shalt  }
0x66: {  	_ =	shalt  }
0x67: {  	_ =	shalt  }
0x68: {  	_ =	shalt  }
0x69: {  	_ =	shalt  }
0x6a: {  	_ =	shalt  }
0x6b: {  	_ =	shalt  }
0x6c: {  	_ =	shalt  }
0x6d: {  	_ =	shalt  }
0x6e: {  	_ =	shalt  }
0x6f: {  	_ =	shalt  }
0x70: {  	_ =	shalt  }
0x71: {  	_ =	shalt  }
0x72: {  	_ =	shalt  }
0x73: {  	_ =	shalt  }
0x74: {  	_ =	shalt  }
0x75: {  	_ =	shalt  }
0x76: {  	_ =	shalt  }
0x77: {  	_ =	shalt  }
0x78: {  	_ =	shalt  }
0x79: {  	_ =	shalt  }
0x7a: {  	_ =	shalt  }
0x7b: {  	_ =	shalt  }
0x7c: {  	_ =	shalt  }
0x7d: {  	_ =	shalt  }
0x7e: {  	_ =	shalt  }
0x7f: {  	_ =	shalt  }
0x80: {  	_ =	shalt  }
0x81: {  	_ =	shalt  }
0x82: {  	_ =	shalt  }
0x83: {  	_ =	shalt  }
0x84: {  	_ =	shalt  }
0x85: {  	_ =	shalt  }
0x86: {  	_ =	shalt  }
0x87: {  	_ =	shalt  }
.Lfunc_end0:
.L_simem_size_0:
called_computation_lowered:
.L_overlay_start_0:
0x88: {  	s2 =	sld [smem:$0x3FD9]  }
0x89: {  	s3 =	sld [smem:$0x3FFE];
	_ =	sdelay $0x1  }
0x8a: {  	s1 =	srdreg.scid  }
0x8b: {  	s0 =	sand.u32 $0x1, s1  }
0x8c: {  	s15 =	sshll.u32 s0, $0xA;
	s2 =	sadd.s32 s3, s2  }
0x8d: {  	s2 =	sadd.s32 s2, s15  }
0x8e: {  	[smem:$0x3FC5] =	sst s2  }
0x8f: {  	_ = 	snop  }
0x90: {  	s2 =	sld [smem:$0x3FD0]  }
0x91: {  	s16 =	sld [smem:$0x3FC9]  }
0x92: {  	s4 =	sld [smem:$0x3FC8]  }
0x93: {  	s6 =	simm.s32 $0xA;
	s7 =	simm.s32 $0x10;
	s5 =	sld [smem:$0x3FC7]  }
0x94: {  	[smem:s7], [sflag:s6] =	dma.local [hbm:s2], $0x1  }
0x95: {  	_ =	swait.eq [sflag:s6], $0x1  }
0x96: {  	[sflag:s6] =	ssyncset.done $0x0  }
0x97: {  	s17 =	sld [smem:$0x10];
	[sflag:s6] =	ssyncadd.s32 $0xFFFFFFFF  }
0x98: {  	s18 =	sld [smem:$0x11];
	(tm) =	ssettm $0x1  }
0x99: {  	s19 =	sld [smem:$0x3FFB];
	_ =	sdelay $0x3  }
0x9a: {  	_ =	strace s19  }
0x9b: {  	s7 =	sld [smem:$0x3FFC];
	_ =	sdelay $0x3  }
0x9c: {  	_ =	strace s7  }
0x9d: {  	s7 =	sld [smem:$0x3FFD];
	_ =	sdelay $0x3  }
0x9e: {  	_ =	strace s7  }
0x9f: {  	_ =	strace $0x8FFFFFFF  }
0xa0: {  	s20 =	sld [smem:$0x3FDB];
	_ =	sdelay $0x1  }
0xa1: {  	s8 =	simm.s32 $_scs_section_size  }
0xa2: {  	s9 =	simm.s32 $_size__tile_overlayer_lowered;
	s10 =	simm.s32 $_tile_overlayer_lowered  }
0xa3: {  	s23 =	simm.s32 $0x1BFF;
	s22 =	sshll.u32 s10, $0x1;
	s7 =	sadd.s32 s8, s20  }
0xa4: {  	s11 =	simm.s32 $0x0;
	s21 =	sshll.u32 s9, $0x1;
	s9 =	sadd.s32 s22, s7  }
0xa5: {  	[timem:s11], [sflag:s23] =	dma.local [hbm:s9], s21  }
0xa6: {  	_ =	swait.ge [sflag:s23], s21  }
0xa7: {  	s8 =	ssub.s32 $0x0, s21;
	[sflag:s23] =	ssyncset.done $0x0  }
0xa8: {  	[sflag:s23] =	ssyncadd.s32 s8;
	_ =	sdelay $0x1  }
0xa9: {  	s24 =	simm.s32 $0x1B8B  }
0xaa: {  	_ =	swait.ge [sflag:s24], $0x1  }
0xab: {  	[sflag:s24] =	ssyncset.done $0x0  }
0xac: {  	s25 =	simm.s32 $0x1B8E;
	[sflag:s24] =	ssyncadd.s32 $0xFFFFFFFF  }
0xad: {  	s26 =	simm.s32 $execute0_lowered;
	[smem:$0x3FD2] =	sst s25  }
0xae: {  	s8 =	sshll.u32 s26, $0x1;
	_ =	strace $0x80000046;
	[dreg:$0x1] =	wrdreg $0xFFFFFFFF  }
0xaf: {  	s28 =	simm.s32 $_size_execute0_lowered;
	s7 =	sadd.s32 s7, s8;
	[dreg:$0x0] =	wrdreg $0x0  }
0xb0: {  	s8 =	sshll.u32 s28, $0x1;
	[dreg:$0x2] =	wrdreg s7  }
0xb1: {  	[dreg:$0x3] =	wrdreg s8  }
0xb2: {  	[dreg:$0x4] =	wrdreg $0xC0  }
0xb3: {  	_ =	task [dreg:s11], $0x5FFFF  }
0xb4: {  	[dreg:$0x1] =	wrdreg $0xFFFFFFFF  }
0xb5: {  	[dreg:$0x0] =	wrdreg $0x60  }
0xb6: {  	[dreg:$0x2] =	wrdreg s16  }
0xb7: {  	[dreg:$0x3] =	wrdreg s4  }
0xb8: {  	[dreg:$0x4] =	wrdreg s5  }
0xb9: {  	[dreg:$0x5] =	wrdreg s17  }
0xba: {  	[dreg:$0x6] =	wrdreg s18  }
0xbb: {  	[dreg:$0x7] =	wrdreg $0x9  }
0xbc: {  	_ =	task.clear_ibuf [dreg:s11], $0x8FFFF;
	_ =	strace $0x90000046  }
0xbd: {  	s29 =	simm.s32 $0x9;
	_ =	strace $0x80000048  }
0xbe: {  	_ =	swait.ge [sflag:s29], $0x1  }
0xbf: {  	[sflag:s29] =	ssyncadd.s32 $0xFFFFFFFF  }
0xc0: {  	_ =	strace $0x90000048  }
0xc1: {  	_ =	sfence  }
0xc2: {  	s30 =	sld [smem:$0x0];
	_ =	sdelay $0x2  }
0xc3: {  	s31 =	sshll.u32 s1, $0xD;
	s1 =	sshrl.u32 s1, $0x2  }
0xc4: {  	s3 =	sand.u32 $0x4000, s31;
	s1 =	sadd.s32 s1, s30  }
0xc5: {  	s0 =	sor.u32 s3, s0;
	s1 =	sshll.u32 s1, $0x11  }
0xc6: {  	s0 =	sor.u32 s1, s0  }
0xc7: {  	s0 =	sadd.s32 $0x8F2B, s0  }
0xc8: {  	[sflag:s0] =	ssyncadd.remote.s32 $0x1  }
0xc9: {  	_ =	sfence.sel $0xFFFF  }
0xca: {  	[dreg:$0x0] =	wrdreg $0xFFFFFFFF;
	(pc) =	sbr.abs _section_cstart, $3  }
0xcb: {  	[dreg:$0x1] =	wrdreg $0xFFFFFFFF  }
0xcc: {  	_ =	task.clear_ibuf [dreg:s11], $0x2FFFF;
	_ =	strace $0x9FFFFFFF  }
0xcd: {  	(tm) =	ssettm $0x7FFFFFFF  }
tec
execute0_lowered:
.L_overlay_start_1:
0x0: {  	(tag) =	ssettag $0x1  }
0x1: {  	s1 =	rddreg [dreg:$0x0]  }
0x2: {  	s2 =	rddreg [dreg:$0x1];
	s3 =	srdreg.scid  }
0x3: {  	s5 =	rddreg [dreg:$0x2];
	s0 =	stileid.u32;
	s31 =	sand.u32 $0x1, s3  }
0x4: {  	s29 =	rddreg [dreg:$0x3];
	s6 =	sshll.u32 s0, $0xA;
	s7 =	sshll.u32 s31, $0x9  }
0x5: {  	s30 =	rddreg [dreg:$0x4];
	s4 =	simm.s32 $0x0;
	s17 =	sor.u32 s7, s6  }
0x6: {  	[smem:$0x7FF] =	sst s4;
	s6 =	sshrl.u32 s17, $0x3  }
0x7: {  	_ =	strace $0x80000047;
	s6 =	sadd.s32 s5, s6;
	s5 =	simm.s32 $0x7  }
0x8: {  	[tilespmem:s4], [sflag:$0x7] =	stream.linear.gather [hbm4b:s6+s4], $0x200, $0x38;
	[tilespmem:$0x18200] =	vst v63  }
0x9: {  	_ =	swait.ge [sflag:s5], $0x200  }
0xa: {  	[sflag:s5] =	ssyncset.done $0x0  }
0xb: {  	s8 =	simm.s32 $0x200;
	s7 =	simm.s32 $0x80;
	[sflag:s5] =	ssyncadd.s32 $0xFFFFFE00  }
0xc: {  	[tilespmem:s8], [sflag:$0x1] =	stream.indirect.gather [hbm4b:s1+s7], $0x80, s4, s7, $0xb8;
	[tilespmem:$0x18200] =	vst v63  }
0xd: {  	s9 =	simm.s32 $0xC200  }
0xe: {  	[tilespmem:s9], [sflag:$0x4] =	stream.indirect.gather [hbm4b:s2+s7], $0x80, s4, s7, $0xb8;
	[tilespmem:$0x18200] =	vst v63  }
0xf: {  	s10 =	simm.s32 $0x4200  }
0x10: {  	[tilespmem:s10], [sflag:$0x2] =	stream.indirect.gather [hbm4b:s1+s7], $0x80, s7, s7, $0xb8;
	[tilespmem:$0x18200] =	vst v63  }
0x11: {  	s11 =	simm.s32 $0x10200  }
0x12: {  	[tilespmem:s11], [sflag:$0x5] =	stream.indirect.gather [hbm4b:s2+s7], $0x80, s7, s7, $0xb8;
	[tilespmem:$0x18200] =	vst v63  }
0x13: {  	s12 =	simm.s32 $0x100;
	s13 =	simm.s32 $0x8200  }
0x14: {  	[tilespmem:s13], [sflag:$0x3] =	stream.indirect.gather [hbm4b:s1+s7], $0x80, s12, s7, $0xb8;
	[tilespmem:$0x18200] =	vst v63  }
0x15: {  	s14 =	simm.s32 $0x14200;
	s15 =	simm.s32 $0x1  }
0x16: {  	[tilespmem:s14], [sflag:$0x6] =	stream.indirect.gather [hbm4b:s2+s7], $0x80, s12, s7, $0xb8;
	[tilespmem:$0x18200] =	vst v63  }
0x17: {  	_ =	swait.ge [sflag:s15], $0x4000  }
0x18: {  	[sflag:s15] =	ssyncset.done $0x0  }
0x19: {  	s16 =	simm.s32 $0x4;
	[sflag:s15] =	ssyncadd.s32 $0xFFFFC000  }
0x1a: {  	_ =	swait.ge [sflag:s16], $0x4000  }
0x1b: {  	s0 =	sshll.u32 s17, $0x4;
	[sflag:s16] =	ssyncset.done $0x0  }
0x1c: {  	s17 =	sadd.s32 s29, s0;
	[sflag:s16] =	ssyncadd.s32 $0xFFFFC000  }
0x1d: {  	[hbm4b:s17+s4] =	stream.linear.scatter [tilespmem:s8], [sflag:$0x7], $0x4000, $0x38;
	[tilespmem:$0x18200] =	vst v63  }
0x1e: {  	_ =	swait.ge [sflag:s5], $0x4000  }
0x1f: {  	[sflag:s5] =	ssyncset.done $0x0  }
0x20: {  	s18 =	sadd.s32 s30, s0;
	[sflag:s5] =	ssyncadd.s32 $0xFFFFC000  }
0x21: {  	[hbm4b:s18+s4] =	stream.linear.scatter [tilespmem:s9], [sflag:$0x7], $0x4000, $0x38;
	[tilespmem:$0x18200] =	vst v63  }
0x22: {  	_ =	swait.ge [sflag:s5], $0x4000  }
0x23: {  	[sflag:s5] =	ssyncset.done $0x0  }
0x24: {  	s19 =	simm.s32 $0x180;
	[sflag:s5] =	ssyncadd.s32 $0xFFFFC000  }
0x25: {  	[tilespmem:s8], [sflag:$0x1] =	stream.indirect.gather [hbm4b:s1+s7], $0x80, s19, s7, $0xb8;
	[tilespmem:$0x18200] =	vst v63  }
0x26: {  	s20 =	simm.s32 $0x2  }
0x27: {  	[tilespmem:s9], [sflag:$0x4] =	stream.indirect.gather [hbm4b:s2+s7], $0x80, s19, s7, $0xb8;
	[tilespmem:$0x18200] =	vst v63  }
0x28: {  	_ =	swait.ge [sflag:s20], $0x4000  }
0x29: {  	[sflag:s20] =	ssyncset.done $0x0  }
0x2a: {  	s21 =	simm.s32 $0x5;
	[sflag:s20] =	ssyncadd.s32 $0xFFFFC000  }
0x2b: {  	_ =	swait.ge [sflag:s21], $0x4000  }
0x2c: {  	s23 =	sor.u32 $0x800, s0;
	[sflag:s21] =	ssyncset.done $0x0  }
0x2d: {  	s22 =	sadd.s32 s29, s23;
	[sflag:s21] =	ssyncadd.s32 $0xFFFFC000  }
0x2e: {  	[hbm4b:s22+s4] =	stream.linear.scatter [tilespmem:s10], [sflag:$0x7], $0x4000, $0x38;
	[tilespmem:$0x18200] =	vst v63  }
0x2f: {  	_ =	swait.ge [sflag:s5], $0x4000  }
0x30: {  	[sflag:s5] =	ssyncset.done $0x0  }
0x31: {  	s23 =	sadd.s32 s30, s23;
	[sflag:s5] =	ssyncadd.s32 $0xFFFFC000  }
0x32: {  	[hbm4b:s23+s4] =	stream.linear.scatter [tilespmem:s11], [sflag:$0x7], $0x4000, $0x38;
	[tilespmem:$0x18200] =	vst v63  }
0x33: {  	_ =	swait.ge [sflag:s5], $0x4000  }
0x34: {  	[sflag:s5] =	ssyncset.done $0x0  }
0x35: {  	s24 =	simm.s32 $0x3;
	[sflag:s5] =	ssyncadd.s32 $0xFFFFC000  }
0x36: {  	_ =	swait.ge [sflag:s24], $0x4000  }
0x37: {  	[sflag:s24] =	ssyncset.done $0x0  }
0x38: {  	s25 =	simm.s32 $0x6;
	[sflag:s24] =	ssyncadd.s32 $0xFFFFC000  }
0x39: {  	_ =	swait.ge [sflag:s25], $0x4000  }
0x3a: {  	s28 =	sor.u32 $0x1000, s0;
	[sflag:s25] =	ssyncset.done $0x0  }
0x3b: {  	s26 =	sadd.s32 s29, s28;
	[sflag:s25] =	ssyncadd.s32 $0xFFFFC000  }
0x3c: {  	[hbm4b:s26+s4] =	stream.linear.scatter [tilespmem:s13], [sflag:$0x7], $0x4000, $0x38;
	[tilespmem:$0x18200] =	vst v63  }
0x3d: {  	_ =	swait.ge [sflag:s5], $0x4000  }
0x3e: {  	[sflag:s5] =	ssyncset.done $0x0  }
0x3f: {  	s28 =	sadd.s32 s30, s28;
	[sflag:s5] =	ssyncadd.s32 $0xFFFFC000  }
0x40: {  	[hbm4b:s28+s4] =	stream.linear.scatter [tilespmem:s14], [sflag:$0x7], $0x4000, $0x38;
	[tilespmem:$0x18200] =	vst v63  }
0x41: {  	_ =	swait.ge [sflag:s5], $0x4000  }
0x42: {  	[sflag:s5] =	ssyncset.done $0x0  }
0x43: {  	[sflag:s5] =	ssyncadd.s32 $0xFFFFC000  }
0x44: {  	_ =	swait.ge [sflag:s15], $0x4000  }
0x45: {  	[sflag:s15] =	ssyncset.done $0x0  }
0x46: {  	s31 =	ssub.s32 $0x2, s31;
	[sflag:s15] =	ssyncadd.s32 $0xFFFFC000  }
0x47: {  	s3 =	sor.u32 $0x1800, s0;
	s0 =	sshrl.u32 s31, $0x1;
	_ =	swait.ge [sflag:s16], $0x4000  }
0x48: {  	s0 =	ssub.s32 s31, s0;
	[sflag:s16] =	ssyncset.done $0x0  }
0x49: {  	s29 =	sadd.s32 s29, s3;
	s0 =	smax.u32 s0, $0x1;
	[sflag:s16] =	ssyncadd.s32 $0xFFFFC000  }
0x4a: {  	[hbm4b:s29+s4] =	stream.linear.scatter [tilespmem:s8], [sflag:$0x7], $0x4000, $0x38;
	[tilespmem:$0x18200] =	vst v63  }
0x4b: {  	p0 =	sne.s32 s0, $0x1;
	_ =	swait.ge [sflag:s5], $0x4000  }
.Ltmp0:
0x4c: {  	[sflag:s5] =	ssyncset.done $0x0;
	(pc) =	sbr.rel @!p0 .LBB2_2-.Ltmp0, $4  }
0x4d: {  	s30 =	sadd.s32 s30, s3;
	[sflag:s5] =	ssyncadd.s32 $0xFFFFC000  }
0x4e: {  	[hbm4b:s30+s4] =	stream.linear.scatter [tilespmem:s9], [sflag:$0x7], $0x4000, $0x38;
	[tilespmem:$0x18200] =	vst v63  }
0x4f: {  	_ =	swait.ge [sflag:s5], $0x4000  }
0x50: {  	s31 =	sadd.s32 $0xFFFFFFFF, s0;
	[sflag:s5] =	ssyncset.done $0x0  }
.LBB2_1:
0x51: {  	p0 =	sne.s32 s31, $0x1;
	s31 =	sadd.s32 $0xFFFFFFFF, s31;
	[sflag:s5] =	ssyncadd.s32 $0xFFFFC000  }
0x52: {  	[tilespmem:s4], [sflag:$0x7] =	stream.linear.gather [hbm4b:s6+s4], $0x200, $0x38;
	[tilespmem:$0x18200] =	vst v63  }
0x53: {  	_ =	swait.ge [sflag:s5], $0x200  }
0x54: {  	[sflag:s5] =	ssyncset.done $0x0  }
0x55: {  	[sflag:s5] =	ssyncadd.s32 $0xFFFFFE00  }
0x56: {  	[tilespmem:s8], [sflag:$0x1] =	stream.indirect.gather [hbm4b:s1+s7], $0x80, s4, s7, $0xb8;
	[tilespmem:$0x18200] =	vst v63  }
0x57: {  	_ = 	snop  }
0x58: {  	[tilespmem:s9], [sflag:$0x4] =	stream.indirect.gather [hbm4b:s2+s7], $0x80, s4, s7, $0xb8;
	[tilespmem:$0x18200] =	vst v63  }
0x59: {  	_ = 	snop  }
0x5a: {  	[tilespmem:s10], [sflag:$0x2] =	stream.indirect.gather [hbm4b:s1+s7], $0x80, s7, s7, $0xb8;
	[tilespmem:$0x18200] =	vst v63  }
0x5b: {  	_ = 	snop  }
0x5c: {  	[tilespmem:s11], [sflag:$0x5] =	stream.indirect.gather [hbm4b:s2+s7], $0x80, s7, s7, $0xb8;
	[tilespmem:$0x18200] =	vst v63  }
0x5d: {  	_ = 	snop  }
0x5e: {  	[tilespmem:s13], [sflag:$0x3] =	stream.indirect.gather [hbm4b:s1+s7], $0x80, s12, s7, $0xb8;
	[tilespmem:$0x18200] =	vst v63  }
0x5f: {  	_ = 	snop  }
0x60: {  	[tilespmem:s14], [sflag:$0x6] =	stream.indirect.gather [hbm4b:s2+s7], $0x80, s12, s7, $0xb8;
	[tilespmem:$0x18200] =	vst v63  }
0x61: {  	_ =	swait.ge [sflag:s15], $0x4000  }
0x62: {  	[sflag:s15] =	ssyncset.done $0x0  }
0x63: {  	[sflag:s15] =	ssyncadd.s32 $0xFFFFC000  }
0x64: {  	_ =	swait.ge [sflag:s16], $0x4000  }
0x65: {  	[sflag:s16] =	ssyncset.done $0x0  }
0x66: {  	[sflag:s16] =	ssyncadd.s32 $0xFFFFC000  }
0x67: {  	[hbm4b:s17+s4] =	stream.linear.scatter [tilespmem:s8], [sflag:$0x7], $0x4000, $0x38;
	[tilespmem:$0x18200] =	vst v63  }
0x68: {  	_ =	swait.ge [sflag:s5], $0x4000  }
0x69: {  	[sflag:s5] =	ssyncset.done $0x0  }
0x6a: {  	[sflag:s5] =	ssyncadd.s32 $0xFFFFC000  }
0x6b: {  	[hbm4b:s18+s4] =	stream.linear.scatter [tilespmem:s9], [sflag:$0x7], $0x4000, $0x38;
	[tilespmem:$0x18200] =	vst v63  }
0x6c: {  	_ =	swait.ge [sflag:s5], $0x4000  }
0x6d: {  	[sflag:s5] =	ssyncset.done $0x0  }
0x6e: {  	[sflag:s5] =	ssyncadd.s32 $0xFFFFC000  }
0x6f: {  	[tilespmem:s8], [sflag:$0x1] =	stream.indirect.gather [hbm4b:s1+s7], $0x80, s19, s7, $0xb8;
	[tilespmem:$0x18200] =	vst v63  }
0x70: {  	_ = 	snop  }
0x71: {  	[tilespmem:s9], [sflag:$0x4] =	stream.indirect.gather [hbm4b:s2+s7], $0x80, s19, s7, $0xb8;
	[tilespmem:$0x18200] =	vst v63  }
0x72: {  	_ =	swait.ge [sflag:s20], $0x4000  }
0x73: {  	[sflag:s20] =	ssyncset.done $0x0  }
0x74: {  	[sflag:s20] =	ssyncadd.s32 $0xFFFFC000  }
0x75: {  	_ =	swait.ge [sflag:s21], $0x4000  }
0x76: {  	[sflag:s21] =	ssyncset.done $0x0  }
0x77: {  	[sflag:s21] =	ssyncadd.s32 $0xFFFFC000  }
0x78: {  	[hbm4b:s22+s4] =	stream.linear.scatter [tilespmem:s10], [sflag:$0x7], $0x4000, $0x38;
	[tilespmem:$0x18200] =	vst v63  }
0x79: {  	_ =	swait.ge [sflag:s5], $0x4000  }
0x7a: {  	[sflag:s5] =	ssyncset.done $0x0  }
0x7b: {  	[sflag:s5] =	ssyncadd.s32 $0xFFFFC000  }
0x7c: {  	[hbm4b:s23+s4] =	stream.linear.scatter [tilespmem:s11], [sflag:$0x7], $0x4000, $0x38;
	[tilespmem:$0x18200] =	vst v63  }
0x7d: {  	_ =	swait.ge [sflag:s5], $0x4000  }
0x7e: {  	[sflag:s5] =	ssyncset.done $0x0  }
0x7f: {  	[sflag:s5] =	ssyncadd.s32 $0xFFFFC000  }
0x80: {  	_ =	swait.ge [sflag:s24], $0x4000  }
0x81: {  	[sflag:s24] =	ssyncset.done $0x0  }
0x82: {  	[sflag:s24] =	ssyncadd.s32 $0xFFFFC000  }
0x83: {  	_ =	swait.ge [sflag:s25], $0x4000  }
0x84: {  	[sflag:s25] =	ssyncset.done $0x0  }
0x85: {  	[sflag:s25] =	ssyncadd.s32 $0xFFFFC000  }
0x86: {  	[hbm4b:s26+s4] =	stream.linear.scatter [tilespmem:s13], [sflag:$0x7], $0x4000, $0x38;
	[tilespmem:$0x18200] =	vst v63  }
0x87: {  	_ =	swait.ge [sflag:s5], $0x4000  }
0x88: {  	[sflag:s5] =	ssyncset.done $0x0  }
0x89: {  	[sflag:s5] =	ssyncadd.s32 $0xFFFFC000  }
0x8a: {  	[hbm4b:s28+s4] =	stream.linear.scatter [tilespmem:s14], [sflag:$0x7], $0x4000, $0x38;
	[tilespmem:$0x18200] =	vst v63  }
0x8b: {  	_ =	swait.ge [sflag:s5], $0x4000  }
0x8c: {  	[sflag:s5] =	ssyncset.done $0x0  }
0x8d: {  	[sflag:s5] =	ssyncadd.s32 $0xFFFFC000  }
0x8e: {  	_ =	swait.ge [sflag:s15], $0x4000  }
0x8f: {  	[sflag:s15] =	ssyncset.done $0x0  }
0x90: {  	[sflag:s15] =	ssyncadd.s32 $0xFFFFC000  }
0x91: {  	_ =	swait.ge [sflag:s16], $0x4000  }
0x92: {  	[sflag:s16] =	ssyncset.done $0x0  }
0x93: {  	[sflag:s16] =	ssyncadd.s32 $0xFFFFC000  }
0x94: {  	[hbm4b:s29+s4] =	stream.linear.scatter [tilespmem:s8], [sflag:$0x7], $0x4000, $0x38;
	[tilespmem:$0x18200] =	vst v63  }
0x95: {  	_ =	swait.ge [sflag:s5], $0x4000  }
.Ltmp1:
0x96: {  	[sflag:s5] =	ssyncset.done $0x0;
	(pc) =	sbr.rel @p0 .LBB2_1-.Ltmp1, $4  }
0x97: {  	[sflag:s5] =	ssyncadd.s32 $0xFFFFC000  }
0x98: {  	[hbm4b:s30+s4] =	stream.linear.scatter [tilespmem:s9], [sflag:$0x7], $0x4000, $0x38;
	[tilespmem:$0x18200] =	vst v63  }
0x99: {  	_ =	swait.ge [sflag:s5], $0x4000  }
0x9a: {  	[sflag:s5] =	ssyncset.done $0x0  }
.LBB2_2:
0x9b: {  	[sflag:s5] =	ssyncadd.s32 $0xFFFFC000  }
0x9c: {  	_ =	sfence.sel $0x180000  }
0x9d: {  	[bflag:$0x0] =	sbarrier.arrive $0xFFFF  }
0x9e: {  	_ =	strace $0x90000047  }
0x9f: {  	s0 =	stileid.u32;
	[bflag:$0x2] =	sbarrier.arrive $0xFFFF  }
0xa0: {  	p0 =	sne.s32 s0, $0x0;
	s0 =	rddreg [dreg:$0x5]  }
0xa1: {  	s0 =	sadd.s32 @!p0 $0x100000, s0  }
0xa2: {  	[sflag:s0] =	ssyncadd.tile.s32 @!p0 $0x1;
	_ =	shalt  }
.Lfunc_end2:
_tile_overlayer_lowered:
.L_overlay_start_2:
0xa3: {  	(tag) =	ssettag $0x2  }
0xa4: {  	s0 =	rddreg [dreg:$0x0];
	s2 =	stileid.u32  }
0xa5: {  	s1 =	rddreg [dreg:$0x1];
	p0 =	sne.s32 s2, $0x0  }
0xa6: {  	s3 =	rddreg [dreg:$0x2];
	[bflag:$0x3] =	sbarrier.arrive $0xFFFF;
	s2 =	simm.s32 @!p0 $0x1C07  }
0xa7: {  	[timem:s3], [sflag:s2] =	dma.local @!p0 [hbm:s0], s1  }
0xa8: {  	s0 =	simm.s32 @!p0 $0x7  }
0xa9: {  	_ =	swait.ge @!p0 [sflag:s0], s1  }
0xaa: {  	s1 =	ssub.s32 @!p0 $0x0, s1;
	[sflag:s0] =	ssyncset.done @!p0 $0x0  }
0xab: {  	[sflag:s0] =	ssyncadd.s32 @!p0 s1  }
0xac: {  	[bflag:$0x3] =	sbarrier.arrive $0xFFFF  }
0xad: {  	_ =	shalt  }

</sc_bundles>
